<compile_context>
chip_gen: v7x
topology: tpu7x:2x2x1
jax: 0.10.2.dev20260603
libtpu: 0.0.44.dev20260713+nightly
codegen_flags: <defaults>
</compile_context>

<pallas_src>
import functools

import jax
import jax.numpy as jnp
from jax import lax
from jax.experimental import pallas as pl
from jax.experimental.pallas import tpu as pltpu
from jax.experimental.pallas import tpu_sc as plsc

NUM_NODES = 100000
FEAT = 128
NUM_GRAPHS = 64

NUM_CORES = 2
NUM_SUBCORES = 16
NUM_WORKERS = NUM_CORES * NUM_SUBCORES
CHUNK = 3200
TAIL = NUM_NODES - (NUM_WORKERS - 1) * CHUNK
HIST = 128

BLOCK_ROWS = 25000
GRID = NUM_NODES // BLOCK_ROWS


def _sc_hist_body(batch_ref, out_ref, head_v, rest_v, ones_v, zeros_v, shared, sem):
    cid = lax.axis_index("c")
    sid = lax.axis_index("s")
    wid = sid * NUM_CORES + cid
    base = wid * CHUNK

    load_head = pltpu.async_copy(batch_ref.at[pl.ds(base, TAIL)], head_v, sem)
    is_full = wid < NUM_WORKERS - 1

    @pl.when(is_full)
    def _():
        pltpu.async_copy(batch_ref.at[pl.ds(base + TAIL, CHUNK - TAIL)], rest_v, sem)

    ones16 = jnp.ones((16,), jnp.float32)

    def _fill(j, carry):
        ones_v[pl.ds(j * 16, 16)] = ones16
        return carry

    lax.fori_loop(0, CHUNK // 16, _fill, 0)
    for j in range(HIST // 16):
        zeros_v[pl.ds(j * 16, 16)] = jnp.zeros((16,), jnp.float32)

    @pl.when(sid == 0)
    def _():
        pltpu.sync_copy(zeros_v, shared)

    load_head.wait()

    @pl.when(is_full)
    def _():
        pltpu.make_async_copy(
            batch_ref.at[pl.ds(base + TAIL, CHUNK - TAIL)], rest_v, sem
        ).wait()

    plsc.subcore_barrier()

    pltpu.sync_copy(ones_v.at[pl.ds(0, TAIL)], shared.at[head_v], add=True)

    @pl.when(is_full)
    def _():
        pltpu.sync_copy(ones_v.at[pl.ds(0, CHUNK - TAIL)], shared.at[rest_v], add=True)

    plsc.subcore_barrier()

    @pl.when(sid == 0)
    def _():
        pltpu.sync_copy(shared, out_ref.at[cid])


@functools.cache
def _sc_hist():
    return pl.kernel(
        _sc_hist_body,
        out_type=jax.ShapeDtypeStruct((NUM_CORES, HIST), jnp.float32),
        mesh=plsc.VectorSubcoreMesh(core_axis_name="c", subcore_axis_name="s"),
        scratch_types=[
            pltpu.VMEM((TAIL,), jnp.int32),
            pltpu.VMEM((CHUNK - TAIL,), jnp.int32),
            pltpu.VMEM((CHUNK,), jnp.float32),
            pltpu.VMEM((HIST,), jnp.float32),
            pltpu.VMEM_SHARED((HIST,), jnp.float32),
            pltpu.SemaphoreType.DMA,
        ],
    )


def _tc_scale_body(deg_ref, x_ref, o_ref):
    i = pl.program_id(0)
    deg = deg_ref[0:1, :] + deg_ref[1:2, :]
    inv = jnp.where(deg > 0.0, lax.rsqrt(deg), 0.0)
    row_ix = lax.broadcasted_iota(jnp.int32, (HIST, HIST), 0)
    col_ix = lax.broadcasted_iota(jnp.int32, (HIST, HIST), 1)
    tri = (row_ix < col_ix).astype(jnp.float32)
    s_excl = jnp.dot(
        deg, tri, precision=lax.Precision.HIGHEST, preferred_element_type=jnp.float32
    )
    s_next = s_excl + deg
    gr = (lax.broadcasted_iota(jnp.int32, (BLOCK_ROWS, 1), 0) + i * BLOCK_ROWS).astype(
        jnp.float32
    )
    member = jnp.logical_and(gr >= s_excl, gr < s_next).astype(jnp.float32)
    scale = jnp.dot(
        member, inv.reshape(HIST, 1), preferred_element_type=jnp.float32
    )
    o_ref[...] = x_ref[...] * scale


def kernel(x, batch):
    deg2 = _sc_hist()(batch.astype(jnp.int32))

    return pl.pallas_call(
        _tc_scale_body,
        grid=(GRID,),
        in_specs=[
            pl.BlockSpec((NUM_CORES, HIST), lambda i: (0, 0)),
            pl.BlockSpec((BLOCK_ROWS, FEAT), lambda i: (i, 0)),
        ],
        out_specs=pl.BlockSpec((BLOCK_ROWS, FEAT), lambda i: (i, 0)),
        out_shape=jax.ShapeDtypeStruct((NUM_NODES, FEAT), jnp.float32),
        compiler_params=pltpu.CompilerParams(
            dimension_semantics=("arbitrary",),
            vmem_limit_bytes=110 * 1024 * 1024,
        ),
    )(deg2, x)

# --- scband reference (transcript-rebuilt; emitter-appended) ---
"""Pipeline reference for scband-graph-size-norm-65996467470789 (READ-ONLY COPY).

The authoritative reference and input builder live on the scoring server;
editing this copy changes nothing except your own understanding.
"""

import jax, jax.numpy as jnp
import numpy as np

N = 100000
D = 128
NUM_GRAPHS = 64

def setup_inputs(seed: int = 0) -> dict:
    key = jax.random.key(seed)
    k1, k2 = jax.random.split(key)
    x = jax.random.normal(k1, (N, D), dtype=jnp.float32)
    batch = jnp.sort(jax.random.randint(k2, (N,), 0, NUM_GRAPHS, dtype=jnp.int32))
    return {"x": x, "batch": batch}

def reference(x, batch):
    # degree(batch): number of nodes per graph (bincount / segment_sum of ones)
    deg = jnp.bincount(batch, length=NUM_GRAPHS).astype(x.dtype)
    inv_sqrt_deg = deg ** -0.5
    # gather per-node scale and normalize: x_i / sqrt(|V_g(i)|)
    return x * inv_sqrt_deg[batch].reshape(-1, 1)

if __name__ == "__main__":
    import jax
    _d = setup_inputs()
    print(jax.jit(kernel)(*tuple(_d.values())))

</pallas_src>

<mosaic_0001>
#map = affine_map<(d0, d1) -> (0)>
#map1 = affine_map<(d0, d1) -> (0, 0)>
module attributes {stable_mosaic.version = 14 : i64} {
  func.func @_sc_hist_body(%arg0: i32, %arg1: i32, %arg2: memref<100000xi32, #tpu.memory_space<hbm>>, %arg3: memref<2x128xf32, #tpu.memory_space<hbm>>, %arg4: memref<800xi32, #tpu.memory_space<vmem>>, %arg5: memref<2400xi32, #tpu.memory_space<vmem>>, %arg6: memref<3200xf32, #tpu.memory_space<vmem>>, %arg7: memref<128xf32, #tpu.memory_space<vmem>>, %arg8: memref<128xf32, #tpu.memory_space<vmem_shared>>, %arg9: memref<!tpu.dma_semaphore, #tpu.memory_space<semaphore_mem>>) attributes {dimension_semantics = [#tpu.dimension_semantics<core_parallel>, #tpu.dimension_semantics<subcore_parallel>], iteration_bounds = array<i64: 2, 16>, scalar_prefetch = 0 : i64, scratch_operands = 6 : i64, tpu.core_type = #tpu.core_type<sc_vector_subcore>, window_params = [{transform_indices = #map}, {transform_indices = #map1}]} {
    %mul3A = arith.constant 2 : i32
    %mul3A_0 = arith.muli %arg1, %mul3A : i32
    %add3A = arith.addi %mul3A_0, %arg0 : i32
    %mul3A_1 = arith.constant 3200 : i32
    %mul3A_2 = arith.muli %add3A, %mul3A_1 : i32
    %dma_start3A = tpu.memref_slice %arg2[%mul3A_2] : memref<100000xi32, #tpu.memory_space<hbm>> -> memref<800xi32, #tpu.memory_space<hbm>>
    %dma_start3A_3 = tpu.memref_slice %arg2[%mul3A_2] : memref<100000xi32, #tpu.memory_space<hbm>> -> memref<800xi32, #tpu.memory_space<hbm>>
    tpu.enqueue_dma source(%dma_start3A_3 : memref<800xi32, #tpu.memory_space<hbm>>) target(%arg4 : memref<800xi32, #tpu.memory_space<vmem>>) target_semaphore(%arg9 : memref<!tpu.dma_semaphore, #tpu.memory_space<semaphore_mem>>)
    %lt3A = arith.constant 31 : i32
    %lt3A_4 = arith.cmpi slt, %add3A, %lt3A : i32
    %convert_element_type3A = arith.extui %lt3A_4 : i1 to i32
    %cond3A = arith.constant 0 : i32
    %cond3A_5 = arith.cmpi ne, %convert_element_type3A, %cond3A : i32
    scf.if %cond3A_5 {
      %add3A_76 = arith.constant 800 : i32
      %add3A_77 = arith.addi %mul3A_2, %add3A_76 : i32
      %dma_start3A_78 = tpu.memref_slice %arg2[%add3A_77] : memref<100000xi32, #tpu.memory_space<hbm>> -> memref<2400xi32, #tpu.memory_space<hbm>>
      %dma_start3A_79 = tpu.memref_slice %arg2[%add3A_77] : memref<100000xi32, #tpu.memory_space<hbm>> -> memref<2400xi32, #tpu.memory_space<hbm>>
      tpu.enqueue_dma source(%dma_start3A_79 : memref<2400xi32, #tpu.memory_space<hbm>>) target(%arg5 : memref<2400xi32, #tpu.memory_space<vmem>>) target_semaphore(%arg9 : memref<!tpu.dma_semaphore, #tpu.memory_space<semaphore_mem>>)
    } else {
    }
    %broadcast_in_dim3A = arith.constant 1.000000e+00 : f32
    %broadcast_in_dim3A_6 = vector.broadcast %broadcast_in_dim3A : f32 to vector<16xf32>
    %scan3A = arith.constant 0 : i32
    %scan3A_7 = arith.constant 0 : i32
    %scan3A_8 = arith.constant 200 : i32
    %scan3A_9 = arith.addi %scan3A_7, %scan3A_8 : i32
    %scan3A_10 = arith.constant 1 : i32
    scf.for %scan3A_76 = %scan3A_7 to %scan3A_9 step %scan3A_10  : i32 {
      %mul3A_77 = arith.constant 16 : i32
      %mul3A_78 = arith.muli %scan3A_76, %mul3A_77 : i32
      %swap3A_79 = arith.index_cast %mul3A_78 : i32 to index
      %swap3A_80 = tpu.vector_load %arg6[%swap3A_79] {strides = array<i32>} : memref<3200xf32, #tpu.memory_space<vmem>>, vector<16xf32>,
      %swap3A_81 = vector.shape_cast %swap3A_80 : vector<16xf32> to vector<16xf32>
      %swap3A_82 = vector.shape_cast %broadcast_in_dim3A_6 : vector<16xf32> to vector<16xf32>
      tpu.vector_store %arg6[%swap3A_79], %swap3A_82 {strides = array<i32>} : memref<3200xf32, #tpu.memory_space<vmem>>, vector<16xf32>,
    }
    %scan3A_11 = arith.constant 200 : i32
    %broadcast_in_dim3A_12 = arith.constant 0.000000e+00 : f32
    %broadcast_in_dim3A_13 = vector.broadcast %broadcast_in_dim3A_12 : f32 to vector<16xf32>
    %swap3A = arith.constant 0 : index
    %swap3A_14 = tpu.vector_load %arg7[%swap3A] {strides = array<i32>} : memref<128xf32, #tpu.memory_space<vmem>>, vector<16xf32>,
    %swap3A_15 = vector.shape_cast %swap3A_14 : vector<16xf32> to vector<16xf32>
    %swap3A_16 = vector.shape_cast %broadcast_in_dim3A_13 : vector<16xf32> to vector<16xf32>
    tpu.vector_store %arg7[%swap3A], %swap3A_16 {strides = array<i32>} : memref<128xf32, #tpu.memory_space<vmem>>, vector<16xf32>,
    %broadcast_in_dim3A_17 = arith.constant 0.000000e+00 : f32
    %broadcast_in_dim3A_18 = vector.broadcast %broadcast_in_dim3A_17 : f32 to vector<16xf32>
    %swap3A_19 = arith.constant 16 : index
    %swap3A_20 = tpu.vector_load %arg7[%swap3A_19] {strides = array<i32>} : memref<128xf32, #tpu.memory_space<vmem>>, vector<16xf32>,
    %swap3A_21 = vector.shape_cast %swap3A_20 : vector<16xf32> to vector<16xf32>
    %swap3A_22 = vector.shape_cast %broadcast_in_dim3A_18 : vector<16xf32> to vector<16xf32>
    tpu.vector_store %arg7[%swap3A_19], %swap3A_22 {strides = array<i32>} : memref<128xf32, #tpu.memory_space<vmem>>, vector<16xf32>,
    %broadcast_in_dim3A_23 = arith.constant 0.000000e+00 : f32
    %broadcast_in_dim3A_24 = vector.broadcast %broadcast_in_dim3A_23 : f32 to vector<16xf32>
    %swap3A_25 = arith.constant 32 : index
    %swap3A_26 = tpu.vector_load %arg7[%swap3A_25] {strides = array<i32>} : memref<128xf32, #tpu.memory_space<vmem>>, vector<16xf32>,
    %swap3A_27 = vector.shape_cast %swap3A_26 : vector<16xf32> to vector<16xf32>
    %swap3A_28 = vector.shape_cast %broadcast_in_dim3A_24 : vector<16xf32> to vector<16xf32>
    tpu.vector_store %arg7[%swap3A_25], %swap3A_28 {strides = array<i32>} : memref<128xf32, #tpu.memory_space<vmem>>, vector<16xf32>,
    %broadcast_in_dim3A_29 = arith.constant 0.000000e+00 : f32
    %broadcast_in_dim3A_30 = vector.broadcast %broadcast_in_dim3A_29 : f32 to vector<16xf32>
    %swap3A_31 = arith.constant 48 : index
    %swap3A_32 = tpu.vector_load %arg7[%swap3A_31] {strides = array<i32>} : memref<128xf32, #tpu.memory_space<vmem>>, vector<16xf32>,
    %swap3A_33 = vector.shape_cast %swap3A_32 : vector<16xf32> to vector<16xf32>
    %swap3A_34 = vector.shape_cast %broadcast_in_dim3A_30 : vector<16xf32> to vector<16xf32>
    tpu.vector_store %arg7[%swap3A_31], %swap3A_34 {strides = array<i32>} : memref<128xf32, #tpu.memory_space<vmem>>, vector<16xf32>,
    %broadcast_in_dim3A_35 = arith.constant 0.000000e+00 : f32
    %broadcast_in_dim3A_36 = vector.broadcast %broadcast_in_dim3A_35 : f32 to vector<16xf32>
    %swap3A_37 = arith.constant 64 : index
    %swap3A_38 = tpu.vector_load %arg7[%swap3A_37] {strides = array<i32>} : memref<128xf32, #tpu.memory_space<vmem>>, vector<16xf32>,
    %swap3A_39 = vector.shape_cast %swap3A_38 : vector<16xf32> to vector<16xf32>
    %swap3A_40 = vector.shape_cast %broadcast_in_dim3A_36 : vector<16xf32> to vector<16xf32>
    tpu.vector_store %arg7[%swap3A_37], %swap3A_40 {strides = array<i32>} : memref<128xf32, #tpu.memory_space<vmem>>, vector<16xf32>,
    %broadcast_in_dim3A_41 = arith.constant 0.000000e+00 : f32
    %broadcast_in_dim3A_42 = vector.broadcast %broadcast_in_dim3A_41 : f32 to vector<16xf32>
    %swap3A_43 = arith.constant 80 : index
    %swap3A_44 = tpu.vector_load %arg7[%swap3A_43] {strides = array<i32>} : memref<128xf32, #tpu.memory_space<vmem>>, vector<16xf32>,
    %swap3A_45 = vector.shape_cast %swap3A_44 : vector<16xf32> to vector<16xf32>
    %swap3A_46 = vector.shape_cast %broadcast_in_dim3A_42 : vector<16xf32> to vector<16xf32>
    tpu.vector_store %arg7[%swap3A_43], %swap3A_46 {strides = array<i32>} : memref<128xf32, #tpu.memory_space<vmem>>, vector<16xf32>,
    %broadcast_in_dim3A_47 = arith.constant 0.000000e+00 : f32
    %broadcast_in_dim3A_48 = vector.broadcast %broadcast_in_dim3A_47 : f32 to vector<16xf32>
    %swap3A_49 = arith.constant 96 : index
    %swap3A_50 = tpu.vector_load %arg7[%swap3A_49] {strides = array<i32>} : memref<128xf32, #tpu.memory_space<vmem>>, vector<16xf32>,
    %swap3A_51 = vector.shape_cast %swap3A_50 : vector<16xf32> to vector<16xf32>
    %swap3A_52 = vector.shape_cast %broadcast_in_dim3A_48 : vector<16xf32> to vector<16xf32>
    tpu.vector_store %arg7[%swap3A_49], %swap3A_52 {strides = array<i32>} : memref<128xf32, #tpu.memory_space<vmem>>, vector<16xf32>,
    %broadcast_in_dim3A_53 = arith.constant 0.000000e+00 : f32
    %broadcast_in_dim3A_54 = vector.broadcast %broadcast_in_dim3A_53 : f32 to vector<16xf32>
    %swap3A_55 = arith.constant 112 : index
    %swap3A_56 = tpu.vector_load %arg7[%swap3A_55] {strides = array<i32>} : memref<128xf32, #tpu.memory_space<vmem>>, vector<16xf32>,
    %swap3A_57 = vector.shape_cast %swap3A_56 : vector<16xf32> to vector<16xf32>
    %swap3A_58 = vector.shape_cast %broadcast_in_dim3A_54 : vector<16xf32> to vector<16xf32>
    tpu.vector_store %arg7[%swap3A_55], %swap3A_58 {strides = array<i32>} : memref<128xf32, #tpu.memory_space<vmem>>, vector<16xf32>,
    %eq3A = arith.constant 0 : i32
    %eq3A_59 = arith.cmpi eq, %arg1, %eq3A : i32
    %convert_element_type3A_60 = arith.extui %eq3A_59 : i1 to i32
    %cond3A_61 = arith.constant 0 : i32
    %cond3A_62 = arith.cmpi ne, %convert_element_type3A_60, %cond3A_61 : i32
    scf.if %cond3A_62 {
      "tpu.region"() ({
        %run_scoped3A = tpu.sem_alloc : memref<!tpu.dma_semaphore, #tpu.memory_space<semaphore_mem>>
        tpu.enqueue_dma source(%arg7 : memref<128xf32, #tpu.memory_space<vmem>>) target(%arg8 : memref<128xf32, #tpu.memory_space<vmem_shared>>) target_semaphore(%run_scoped3A : memref<!tpu.dma_semaphore, #tpu.memory_space<semaphore_mem>>)
        tpu.wait_dma2 semaphore(%run_scoped3A : memref<!tpu.dma_semaphore, #tpu.memory_space<semaphore_mem>>) src(%arg7 : memref<128xf32, #tpu.memory_space<vmem>>) dst(%arg8 : memref<128xf32, #tpu.memory_space<vmem_shared>>)
        tpu.yield
      }) : () -> ()
    } else {
    }
    %dma_wait3A = tpu.memref_slice %arg2[%mul3A_2] : memref<100000xi32, #tpu.memory_space<hbm>> -> memref<800xi32, #tpu.memory_space<hbm>>
    %dma_wait3A_63 = tpu.memref_slice %arg2[%mul3A_2] : memref<100000xi32, #tpu.memory_space<hbm>> -> memref<800xi32, #tpu.memory_space<hbm>>
    tpu.wait_dma2 semaphore(%arg9 : memref<!tpu.dma_semaphore, #tpu.memory_space<semaphore_mem>>) src(%dma_wait3A_63 : memref<800xi32, #tpu.memory_space<hbm>>) dst(%arg4 : memref<800xi32, #tpu.memory_space<vmem>>)
    %convert_element_type3A_64 = arith.extui %lt3A_4 : i1 to i32
    %cond3A_65 = arith.constant 0 : i32
    %cond3A_66 = arith.cmpi ne, %convert_element_type3A_64, %cond3A_65 : i32
    scf.if %cond3A_66 {
      %add3A_76 = arith.constant 800 : i32
      %add3A_77 = arith.addi %mul3A_2, %add3A_76 : i32
      %dma_wait3A_78 = tpu.memref_slice %arg2[%add3A_77] : memref<100000xi32, #tpu.memory_space<hbm>> -> memref<2400xi32, #tpu.memory_space<hbm>>
      %dma_wait3A_79 = tpu.memref_slice %arg2[%add3A_77] : memref<100000xi32, #tpu.memory_space<hbm>> -> memref<2400xi32, #tpu.memory_space<hbm>>
      tpu.wait_dma2 semaphore(%arg9 : memref<!tpu.dma_semaphore, #tpu.memory_space<semaphore_mem>>) src(%dma_wait3A_79 : memref<2400xi32, #tpu.memory_space<hbm>>) dst(%arg5 : memref<2400xi32, #tpu.memory_space<vmem>>)
    } else {
    }
    %barrier3A = arith.constant 0 : index
    tpu.barrier barrier_id(%barrier3A)
    "tpu.region"() ({
      %run_scoped3A = tpu.sem_alloc : memref<!tpu.dma_semaphore, #tpu.memory_space<semaphore_mem>>
      %dma_start3A_76 = arith.constant 0 : i32
      %dma_start3A_77 = tpu.memref_slice %arg6[%dma_start3A_76] : memref<3200xf32, #tpu.memory_space<vmem>> -> memref<800xf32, #tpu.memory_space<vmem>>
      %dma_start3A_78 = arith.constant 0 : i32
      %dma_start3A_79 = tpu.memref_slice %arg8[%dma_start3A_78] : memref<128xf32, #tpu.memory_space<vmem_shared>> -> memref<128xf32, #tpu.memory_space<vmem_shared>>
      tpu.enqueue_indirect_dma source(%dma_start3A_77 : memref<800xf32, #tpu.memory_space<vmem>>) target(%dma_start3A_79 : memref<128xf32, #tpu.memory_space<vmem_shared>>) offsets(%arg4 : memref<800xi32, #tpu.memory_space<vmem>>) semaphore(%run_scoped3A : memref<!tpu.dma_semaphore, #tpu.memory_space<semaphore_mem>>) {add = true}
      %dma_wait3A_80 = arith.constant 0 : i32
      %dma_wait3A_81 = tpu.memref_slice %arg6[%dma_wait3A_80] : memref<3200xf32, #tpu.memory_space<vmem>> -> memref<800xf32, #tpu.memory_space<vmem>>
      %dma_wait3A_82 = arith.constant 0 : i32
      %dma_wait3A_83 = tpu.memref_slice %arg8[%dma_wait3A_82] : memref<128xf32, #tpu.memory_space<vmem_shared>> -> memref<128xf32, #tpu.memory_space<vmem_shared>>
      tpu.wait_indirect_dma semaphore(%run_scoped3A : memref<!tpu.dma_semaphore, #tpu.memory_space<semaphore_mem>>) src(%dma_wait3A_81 : memref<800xf32, #tpu.memory_space<vmem>>) dst(%dma_wait3A_83 : memref<128xf32, #tpu.memory_space<vmem_shared>>)
      tpu.yield
    }) : () -> ()
    %convert_element_type3A_67 = arith.extui %lt3A_4 : i1 to i32
    %cond3A_68 = arith.constant 0 : i32
    %cond3A_69 = arith.cmpi ne, %convert_element_type3A_67, %cond3A_68 : i32
    scf.if %cond3A_69 {
      "tpu.region"() ({
        %run_scoped3A = tpu.sem_alloc : memref<!tpu.dma_semaphore, #tpu.memory_space<semaphore_mem>>
        %dma_start3A_76 = arith.constant 0 : i32
        %dma_start3A_77 = tpu.memref_slice %arg6[%dma_start3A_76] : memref<3200xf32, #tpu.memory_space<vmem>> -> memref<2400xf32, #tpu.memory_space<vmem>>
        %dma_start3A_78 = arith.constant 0 : i32
        %dma_start3A_79 = tpu.memref_slice %arg8[%dma_start3A_78] : memref<128xf32, #tpu.memory_space<vmem_shared>> -> memref<128xf32, #tpu.memory_space<vmem_shared>>
        tpu.enqueue_indirect_dma source(%dma_start3A_77 : memref<2400xf32, #tpu.memory_space<vmem>>) target(%dma_start3A_79 : memref<128xf32, #tpu.memory_space<vmem_shared>>) offsets(%arg5 : memref<2400xi32, #tpu.memory_space<vmem>>) semaphore(%run_scoped3A : memref<!tpu.dma_semaphore, #tpu.memory_space<semaphore_mem>>) {add = true}
        %dma_wait3A_80 = arith.constant 0 : i32
        %dma_wait3A_81 = tpu.memref_slice %arg6[%dma_wait3A_80] : memref<3200xf32, #tpu.memory_space<vmem>> -> memref<2400xf32, #tpu.memory_space<vmem>>
        %dma_wait3A_82 = arith.constant 0 : i32
        %dma_wait3A_83 = tpu.memref_slice %arg8[%dma_wait3A_82] : memref<128xf32, #tpu.memory_space<vmem_shared>> -> memref<128xf32, #tpu.memory_space<vmem_shared>>
        tpu.wait_indirect_dma semaphore(%run_scoped3A : memref<!tpu.dma_semaphore, #tpu.memory_space<semaphore_mem>>) src(%dma_wait3A_81 : memref<2400xf32, #tpu.memory_space<vmem>>) dst(%dma_wait3A_83 : memref<128xf32, #tpu.memory_space<vmem_shared>>)
        tpu.yield
      }) : () -> ()
    } else {
    }
    %barrier3A_70 = arith.constant 0 : index
    tpu.barrier barrier_id(%barrier3A_70)
    %eq3A_71 = arith.constant 0 : i32
    %eq3A_72 = arith.cmpi eq, %arg1, %eq3A_71 : i32
    %convert_element_type3A_73 = arith.extui %eq3A_72 : i1 to i32
    %cond3A_74 = arith.constant 0 : i32
    %cond3A_75 = arith.cmpi ne, %convert_element_type3A_73, %cond3A_74 : i32
    scf.if %cond3A_75 {
      "tpu.region"() ({
        %run_scoped3A = tpu.sem_alloc : memref<!tpu.dma_semaphore, #tpu.memory_space<semaphore_mem>>
        %dma_start3A_76 = arith.constant 0 : i32
        %dma_start3A_77 = tpu.memref_slice %arg3[%arg0, %dma_start3A_76] : memref<2x128xf32, #tpu.memory_space<hbm>> -> memref<1x128xf32, #tpu.memory_space<hbm>>
        %dma_start3A_78 = tpu.memref_squeeze %dma_start3A_77 : memref<1x128xf32, #tpu.memory_space<hbm>> -> memref<128xf32, #tpu.memory_space<hbm>>
        tpu.enqueue_dma source(%arg8 : memref<128xf32, #tpu.memory_space<vmem_shared>>) target(%dma_start3A_78 : memref<128xf32, #tpu.memory_space<hbm>>) target_semaphore(%run_scoped3A : memref<!tpu.dma_semaphore, #tpu.memory_space<semaphore_mem>>)
        %dma_wait3A_79 = arith.constant 0 : i32
        %dma_wait3A_80 = tpu.memref_slice %arg3[%arg0, %dma_wait3A_79] : memref<2x128xf32, #tpu.memory_space<hbm>> -> memref<1x128xf32, #tpu.memory_space<hbm>>
        %dma_wait3A_81 = tpu.memref_squeeze %dma_wait3A_80 : memref<1x128xf32, #tpu.memory_space<hbm>> -> memref<128xf32, #tpu.memory_space<hbm>>
        tpu.wait_dma2 semaphore(%run_scoped3A : memref<!tpu.dma_semaphore, #tpu.memory_space<semaphore_mem>>) src(%arg8 : memref<128xf32, #tpu.memory_space<vmem_shared>>) dst(%dma_wait3A_81 : memref<128xf32, #tpu.memory_space<hbm>>)
        tpu.yield
      }) : () -> ()
    } else {
    }
    return
  }
}

module attributes {stable_mosaic.version = 14 : i64} {
  func.func @_tc_scale_body(%arg0: i32, %arg1: memref<2x128xf32, #tpu.memory_space<vmem>>, %arg2: memref<25000x128xf32, #tpu.memory_space<vmem>>, %arg3: memref<25000x128xf32, #tpu.memory_space<vmem>>) attributes {dimension_semantics = [#tpu.dimension_semantics<arbitrary>], iteration_bounds = array<i64: 4>, scalar_prefetch = 0 : i64, scratch_operands = 0 : i64, tpu.core_type = #tpu.core_type<tc>, window_params = [{pipeline_mode = #tpu.pipeline_mode<synchronous>, transform_indices = @transform_0, window_bounds = array<i64: 2, 128>}, {transform_indices = @transform_1, window_bounds = array<i64: 25000, 128>}, {transform_indices = @transform_2, window_bounds = array<i64: 25000, 128>}]} {
    %get3A = arith.constant 0 : index
    %get3A_0 = arith.constant 0 : index
    %get3A_1 = vector.load %arg1[%get3A, %get3A_0] : memref<2x128xf32, #tpu.memory_space<vmem>>, vector<1x128xf32>
    %get3A_2 = arith.constant 1 : index
    %get3A_3 = arith.constant 0 : index
    %get3A_4 = vector.load %arg1[%get3A_2, %get3A_3] : memref<2x128xf32, #tpu.memory_space<vmem>>, vector<1x128xf32>
    %add3A = arith.addf %get3A_1, %get3A_4 : vector<1x128xf32>
    %gt3A = arith.constant 0.000000e+00 : f32
    %gt3A_5 = vector.broadcast %gt3A : f32 to vector<1x128xf32>
    %gt3A_6 = arith.cmpf ogt, %add3A, %gt3A_5 : vector<1x128xf32>
    %rsqrt3A = math.rsqrt %add3A : vector<1x128xf32>
    %jit3A = arith.constant 0.000000e+00 : f32
    %broadcast_in_dim3A = vector.broadcast %jit3A : f32 to vector<1x128xf32>
    %select_n3A = arith.select %gt3A_6, %rsqrt3A, %broadcast_in_dim3A : vector<1x128xi1>, vector<1x128xf32>
    %iota3A = tpu.iota {dimensions = array<i32: 0>} : vector<128x128xi32>
    %iota3A_7 = tpu.iota {dimensions = array<i32: 1>} : vector<128x128xi32>
    %lt3A = arith.cmpi slt, %iota3A, %iota3A_7 : vector<128x128xi32>
    %convert_element_type3A = arith.extui %lt3A : vector<128x128xi1> to vector<128x128xi32>
    %convert_element_type3A_8 = arith.sitofp %convert_element_type3A : vector<128x128xi32> to vector<128x128xf32>
    %dot_general3A = arith.constant dense<0.000000e+00> : vector<1x128xf32>
    %dot_general3A_9 = tpu.matmul %add3A, %convert_element_type3A_8, %dot_general3A {dimension_numbers = #tpu.dot_dimension_numbers<[1], [0], [0], [1], [0, 0, 1, 1], [], []>, precision = #tpu.contract_precision<fp32>, transpose_lhs_hint = false} : vector<1x128xf32>, vector<128x128xf32>, vector<1x128xf32> -> vector<1x128xf32>
    %add3A_10 = arith.addf %dot_general3A_9, %add3A : vector<1x128xf32>
    %iota3A_11 = tpu.iota {dimensions = array<i32: 0>} : vector<25000x1xi32>
    %mul3A = arith.constant 25000 : i32
    %mul3A_12 = arith.muli %arg0, %mul3A : i32
    %add3A_13 = vector.broadcast %mul3A_12 : i32 to vector<25000x1xi32>
    %add3A_14 = arith.addi %iota3A_11, %add3A_13 : vector<25000x1xi32>
    %convert_element_type3A_15 = arith.sitofp %add3A_14 : vector<25000x1xi32> to vector<25000x1xf32>
    %ge3A = vector.broadcast %convert_element_type3A_15 : vector<25000x1xf32> to vector<25000x128xf32>
    %ge3A_16 = vector.broadcast %dot_general3A_9 : vector<1x128xf32> to vector<25000x128xf32>
    %ge3A_17 = arith.cmpf oge, %ge3A, %ge3A_16 : vector<25000x128xf32>
    %lt3A_18 = vector.broadcast %convert_element_type3A_15 : vector<25000x1xf32> to vector<25000x128xf32>
    %lt3A_19 = vector.broadcast %add3A_10 : vector<1x128xf32> to vector<25000x128xf32>
    %lt3A_20 = arith.cmpf olt, %lt3A_18, %lt3A_19 : vector<25000x128xf32>
    %and3A = arith.andi %ge3A_17, %lt3A_20 : vector<25000x128xi1>
    %convert_element_type3A_21 = arith.extui %and3A : vector<25000x128xi1> to vector<25000x128xi32>
    %convert_element_type3A_22 = arith.sitofp %convert_element_type3A_21 : vector<25000x128xi32> to vector<25000x128xf32>
    %reshape3A = vector.shape_cast %select_n3A : vector<1x128xf32> to vector<128x1xf32>
    %dot_general3A_23 = arith.constant dense<0.000000e+00> : vector<25000x1xf32>
    %dot_general3A_24 = tpu.matmul %convert_element_type3A_22, %reshape3A, %dot_general3A_23 {dimension_numbers = #tpu.dot_dimension_numbers<[1], [0], [0], [1], [0, 0, 1, 1], [], []>, transpose_lhs_hint = false} : vector<25000x128xf32>, vector<128x1xf32>, vector<25000x1xf32> -> vector<25000x1xf32>
    %get3A_25 = arith.constant 0 : index
    %get3A_26 = arith.constant 0 : index
    %get3A_27 = vector.load %arg2[%get3A_25, %get3A_26] : memref<25000x128xf32, #tpu.memory_space<vmem>>, vector<25000x128xf32>
    %mul3A_28 = vector.broadcast %dot_general3A_24 : vector<25000x1xf32> to vector<25000x128xf32>
    %mul3A_29 = arith.mulf %get3A_27, %mul3A_28 : vector<25000x128xf32>
    %swap3A = arith.constant 0 : index
    %swap3A_30 = arith.constant 0 : index
    %swap3A_31 = vector.load %arg3[%swap3A, %swap3A_30] : memref<25000x128xf32, #tpu.memory_space<vmem>>, vector<25000x128xf32>
    tpu.vector_store %arg3[%swap3A, %swap3A_30], %mul3A_29 {strides = array<i32>} : memref<25000x128xf32, #tpu.memory_space<vmem>>, vector<25000x128xf32>,
    return
  }
  func.func @transform_0(%arg0: i32) -> (i32, i32) {
    %c0_i32 = arith.constant 0 : i32
    %c0_i32_0 = arith.constant 0 : i32
    %c0_i32_1 = arith.constant 0 : i32
    return %c0_i32, %c0_i32_0 : i32, i32
  }
  func.func @transform_1(%arg0: i32) -> (i32, i32) {
    %c0_i32 = arith.constant 0 : i32
    %c0_i32_0 = arith.constant 0 : i32
    return %arg0, %c0_i32 : i32, i32
  }
  func.func @transform_2(%arg0: i32) -> (i32, i32) {
    %c0_i32 = arith.constant 0 : i32
    %c0_i32_0 = arith.constant 0 : i32
    return %arg0, %c0_i32 : i32, i32
  }
}

</mosaic_0001>

<sc_bundles>
// kernel: kernel.4.cloned.1.call-start
scs
__scs_entry_jumppad:
0x0: {  	(pc) =	sbr.rel $0x88, $3  }
0x1: {  	(tag) =	ssettag $0x0;
	lr =	simm.s32 $0x1  }
0x2: {  	[smem:$0x3F9F] =	sst lr;
	_ =	strace $0xD0000000  }
0x3: {  	_ = 	snop  }
0x4: {  	_ = 	snop  }
0x5: {  	_ = 	snop  }
0x6: {  	_ = 	snop  }
0x7: {  	_ = 	snop  }
__scs_overlays_trampoline_lowered:
0x8: {  	[smem:$0x3FAE] =	sst s0  }
0x9: {  	[smem:$0x3FAF] =	sst s1  }
0xa: {  	[smem:$0x3FB0] =	sst s2  }
0xb: {  	[smem:$0x3FB1] =	sst s3  }
0xc: {  	[smem:$0x3FB2] =	sst s4  }
0xd: {  	[smem:$0x3FB3] =	sst s5  }
0xe: {  	[smem:$0x3FB4] =	sst s6  }
0xf: {  	[smem:$0x3FB5] =	sst s7  }
0x10: {  	[smem:$0x3FB6] =	sst s8  }
0x11: {  	[smem:$0x3FB7] =	sst s9;
	s0 =	simm.s32 @!p0 $0x0  }
0x12: {  	s1 =	sld [smem:$0x3F9D];
	s0 =	simm.s32 @p0 $0x1  }
0x13: {  	[smem:$0x3FB8] =	sst s0;
	s0 =	simm.s32 @!p1 $0x0  }
0x14: {  	s2 =	sld [smem:$0x3F9C];
	s0 =	simm.s32 @p1 $0x1  }
0x15: {  	[smem:$0x3FB9] =	sst s0;
	s0 =	simm.s32 @!p2 $0x0  }
0x16: {  	s3 =	sld [smem:$0x3FDB];
	s0 =	simm.s32 @p2 $0x1  }
0x17: {  	s4 =	simm.s32 $0x1BF5;
	[smem:$0x3FBB] =	sst s0  }
0x18: {  	s0 =	sld [smem:$0x3F9E];
	_ =	swait.ge [sflag:s4], $0x0  }
0x19: {  	s7 =	sld [smem:$0x3F9F]  }
0x1a: {  	s8 =	sadd.s32 $0xFFFFE003, lr  }
0x1b: {  	s9 =	sadd.s32 $0xFFFFFEF7, lr;
	s5 =	simm.s32 $0xFFFFFFFF;
	p2 =	slt.u32 s8, $0xFFFFF086  }
0x1c: {  	p1 =	slt.u32 s9, $0xF7A;
	s5 =	simm.s32 @!p2 $0x0  }
0x1d: {  	s5 =	simm.s32 @p1 $0x1;
	p0 =	seq.s32 s7, s2  }
0x1e: {  	s7 =	smul.u32 @!p0 $0xF7A, s2;
	p2 =	seq.s32 @!p0 s5, $0x0  }
0x1f: {  	s9 =	smul.u32 $0xF7A, s1;
	s8 =	simm.s32 @!p0 $0x1BF5;
	p2 =	por !p2, p0  }
0x20: {  	[sflag:s8] =	ssyncset.s32 @!p0 $0xFFFFF086;
	s6 =	sadd.s32 @!p0 s3, s7;
	s7 =	simm.s32 @!p0 $0x108  }
0x21: {  	s3 =	sadd.s32 s3, s9;
	s6 =	sadd.s32 @!p0 $0x88, s6;
	s7 =	simm.s32 @p2 $0x1082  }
0x22: {  	[simem:s7], [sflag:s8] =	dma.local @!p0 [hbm:s6], $0xF7A  }
0x23: {  	s9 =	sor.u32 $0xD0000000, s2;
	s6 =	simm.s32 $0x108;
	_ =	swait.ge @!p0 [sflag:s8], $0x0  }
0x24: {  	s3 =	sadd.s32 $0x88, s3;
	s6 =	simm.s32 @!p1 $0x1082;
	[sflag:s4] =	ssyncset.s32 $0xFFFFF086  }
0x25: {  	[simem:s6], [sflag:s4] =	dma.local [hbm:s3], $0xF7A  }
0x26: {  	[smem:$0x3F9F] =	sst s1;
	(tag) =	ssettag s2;
	_ =	strace s9  }
0x27: {  	s1 =	sld [smem:$0x3FAF]  }
0x28: {  	s2 =	sld [smem:$0x3FB0]  }
0x29: {  	s4 =	sld [smem:$0x3FB2]  }
0x2a: {  	p0 =	seq.s32 s5, $0x0;
	s5 =	sld [smem:$0x3FB3]  }
0x2b: {  	s6 =	sld [smem:$0x3FB4]  }
0x2c: {  	s7 =	sld [smem:$0x3FB5]  }
0x2d: {  	s3 =	simm.s32 $0x108;
	s8 =	sld [smem:$0x3FB6]  }
0x2e: {  	s3 =	simm.s32 @!p0 $0x1082;
	s9 =	sld [smem:$0x3FB7]  }
0x2f: {  	lr =	sadd.s32 s0, s3;
	s0 =	sld [smem:$0x3FAE]  }
0x30: {  	s3 =	sld [smem:$0x3FB1]  }
0x31: {  	[smem:$0x3FBA] =	sst s10  }
0x32: {  	s10 =	sld [smem:$0x3FB8];
	_ =	sdelay $0x3  }
0x33: {  	p0 =	seq.s32 s10, $0x1;
	s10 =	sld [smem:$0x3FBA];
	_ =	sdelay $0x3  }
0x34: {  	[smem:$0x3FBA] =	sst s10  }
0x35: {  	s10 =	sld [smem:$0x3FB9];
	_ =	sdelay $0x3  }
0x36: {  	p1 =	seq.s32 s10, $0x1;
	s10 =	sld [smem:$0x3FBA];
	_ =	sdelay $0x3  }
0x37: {  	[smem:$0x3FBA] =	sst s10  }
0x38: {  	s10 =	sld [smem:$0x3FBB]  }
0x39: {  	_ = 	snop;
	(pc) =	sbr.ind lr, $3  }
0x3a: {  	_ = 	snop  }
0x3b: {  	_ = 	snop  }
0x3c: {  	p2 =	seq.s32 s10, $0x1;
	s10 =	sld [smem:$0x3FBA]  }
0x3d: {  	_ =	shalt  }
0x3e: {  	_ =	shalt  }
0x3f: {  	_ =	shalt  }
0x40: {  	_ =	shalt  }
0x41: {  	_ =	shalt  }
0x42: {  	_ =	shalt  }
0x43: {  	_ =	shalt  }
0x44: {  	_ =	shalt  }
0x45: {  	_ =	shalt  }
0x46: {  	_ =	shalt  }
0x47: {  	_ =	shalt  }
0x48: {  	_ =	shalt  }
0x49: {  	_ =	shalt  }
0x4a: {  	_ =	shalt  }
0x4b: {  	_ =	shalt  }
0x4c: {  	_ =	shalt  }
0x4d: {  	_ =	shalt  }
0x4e: {  	_ =	shalt  }
0x4f: {  	_ =	shalt  }
0x50: {  	_ =	shalt  }
0x51: {  	_ =	shalt  }
0x52: {  	_ =	shalt  }
0x53: {  	_ =	shalt  }
0x54: {  	_ =	shalt  }
0x55: {  	_ =	shalt  }
0x56: {  	_ =	shalt  }
0x57: {  	_ =	shalt  }
0x58: {  	_ =	shalt  }
0x59: {  	_ =	shalt  }
0x5a: {  	_ =	shalt  }
0x5b: {  	_ =	shalt  }
0x5c: {  	_ =	shalt  }
0x5d: {  	_ =	shalt  }
0x5e: {  	_ =	shalt  }
0x5f: {  	_ =	shalt  }
0x60: {  	_ =	shalt  }
0x61: {  	_ =	shalt  }
0x62: {  	_ =	shalt  }
0x63: {  	_ =	shalt  }
0x64: {  	_ =	shalt  }
0x65: {  	_ =	shalt  }
0x66: {  	_ =	shalt  }
0x67: {  	_ =	shalt  }
0x68: {  	_ =	shalt  }
0x69: {  	_ =	shalt  }
0x6a: {  	_ =	shalt  }
0x6b: {  	_ =	shalt  }
0x6c: {  	_ =	shalt  }
0x6d: {  	_ =	shalt  }
0x6e: {  	_ =	shalt  }
0x6f: {  	_ =	shalt  }
0x70: {  	_ =	shalt  }
0x71: {  	_ =	shalt  }
0x72: {  	_ =	shalt  }
0x73: {  	_ =	shalt  }
0x74: {  	_ =	shalt  }
0x75: {  	_ =	shalt  }
0x76: {  	_ =	shalt  }
0x77: {  	_ =	shalt  }
0x78: {  	_ =	shalt  }
0x79: {  	_ =	shalt  }
0x7a: {  	_ =	shalt  }
0x7b: {  	_ =	shalt  }
0x7c: {  	_ =	shalt  }
0x7d: {  	_ =	shalt  }
0x7e: {  	_ =	shalt  }
0x7f: {  	_ =	shalt  }
0x80: {  	_ =	shalt  }
0x81: {  	_ =	shalt  }
0x82: {  	_ =	shalt  }
0x83: {  	_ =	shalt  }
0x84: {  	_ =	shalt  }
0x85: {  	_ =	shalt  }
0x86: {  	_ =	shalt  }
0x87: {  	_ =	shalt  }
.Lfunc_end0:
.L_simem_size_0:
called_computation_lowered:
.L_overlay_start_0:
0x88: {  	s2 =	sld [smem:$0x3FD9]  }
0x89: {  	s3 =	sld [smem:$0x3FFE];
	_ =	sdelay $0x1  }
0x8a: {  	s1 =	srdreg.scid  }
0x8b: {  	s0 =	sand.u32 $0x1, s1  }
0x8c: {  	s17 =	sshll.u32 s0, $0xA;
	s2 =	sadd.s32 s3, s2  }
0x8d: {  	s2 =	sadd.s32 s2, s17  }
0x8e: {  	[smem:$0x3FC6] =	sst s2  }
0x8f: {  	_ = 	snop  }
0x90: {  	s2 =	sld [smem:$0x3FC8];
	(tm) =	ssettm $0x1  }
0x91: {  	s18 =	sld [smem:$0x3FFB];
	_ =	sdelay $0x3  }
0x92: {  	_ =	strace s18  }
0x93: {  	s3 =	sld [smem:$0x3FFC];
	_ =	sdelay $0x3  }
0x94: {  	_ =	strace s3  }
0x95: {  	s3 =	sld [smem:$0x3FFD];
	_ =	sdelay $0x3  }
0x96: {  	_ =	strace s3  }
0x97: {  	_ =	strace $0x8FFFFFFF  }
0x98: {  	s19 =	sld [smem:$0x3FDB];
	_ =	sdelay $0x1  }
0x99: {  	s4 =	simm.s32 $_scs_section_size  }
0x9a: {  	s5 =	simm.s32 $_size__tile_overlayer_lowered;
	s6 =	simm.s32 $_tile_overlayer_lowered  }
0x9b: {  	s22 =	simm.s32 $0x1BFF;
	s21 =	sshll.u32 s6, $0x1;
	s3 =	sadd.s32 s4, s19  }
0x9c: {  	s7 =	simm.s32 $0x0;
	s20 =	sshll.u32 s5, $0x1;
	s5 =	sadd.s32 s21, s3  }
0x9d: {  	[timem:s7], [sflag:s22] =	dma.local [hbm:s5], s20  }
0x9e: {  	_ =	swait.ge [sflag:s22], s20  }
0x9f: {  	s4 =	ssub.s32 $0x0, s20;
	[sflag:s22] =	ssyncset.done $0x0  }
0xa0: {  	[sflag:s22] =	ssyncadd.s32 s4;
	_ =	sdelay $0x1  }
0xa1: {  	s23 =	simm.s32 $0x1B8B  }
0xa2: {  	_ =	swait.ge [sflag:s23], $0x1  }
0xa3: {  	[sflag:s23] =	ssyncset.done $0x0  }
0xa4: {  	s25 =	simm.s32 $0x1B8E;
	s24 =	sld [smem:$0x3FFE];
	[sflag:s23] =	ssyncadd.s32 $0xFFFFFFFF  }
0xa5: {  	s26 =	simm.s32 $execute0_lowered;
	[smem:$0x3FD2] =	sst s25  }
0xa6: {  	s5 =	sshll.u32 s26, $0x1;
	_ =	strace $0x80000046;
	[dreg:$0x1] =	wrdreg $0xFFFFFFFF  }
0xa7: {  	s28 =	simm.s32 $_size_execute0_lowered;
	s3 =	sadd.s32 s3, s5;
	[dreg:$0x0] =	wrdreg $0x0  }
0xa8: {  	s5 =	sshll.u32 s28, $0x1;
	[dreg:$0x2] =	wrdreg s3  }
0xa9: {  	[dreg:$0x3] =	wrdreg s5  }
0xaa: {  	[dreg:$0x4] =	wrdreg $0xC0  }
0xab: {  	_ =	task [dreg:s7], $0x5FFFF  }
0xac: {  	[dreg:$0x1] =	wrdreg $0xFFFFFFFF  }
0xad: {  	[dreg:$0x0] =	wrdreg $0x60  }
0xae: {  	[dreg:$0x2] =	wrdreg s2  }
0xaf: {  	[dreg:$0x3] =	wrdreg s24  }
0xb0: {  	[dreg:$0x4] =	wrdreg $0x1A000  }
0xb1: {  	[dreg:$0x5] =	wrdreg $0x9  }
0xb2: {  	_ =	task.clear_ibuf [dreg:s7], $0x6FFFF;
	_ =	strace $0x90000046  }
0xb3: {  	s29 =	simm.s32 $0x9;
	_ =	strace $0x80000048  }
0xb4: {  	_ =	swait.ge [sflag:s29], $0x1  }
0xb5: {  	[sflag:s29] =	ssyncadd.s32 $0xFFFFFFFF  }
0xb6: {  	_ =	strace $0x90000048  }
0xb7: {  	_ =	sfence  }
0xb8: {  	s30 =	sld [smem:$0x0];
	_ =	sdelay $0x2  }
0xb9: {  	s31 =	sshll.u32 s1, $0xD;
	s1 =	sshrl.u32 s1, $0x2  }
0xba: {  	s3 =	sand.u32 $0x4000, s31;
	s1 =	sadd.s32 s1, s30  }
0xbb: {  	s0 =	sor.u32 s3, s0;
	s1 =	sshll.u32 s1, $0x11  }
0xbc: {  	s0 =	sor.u32 s1, s0  }
0xbd: {  	s0 =	sadd.s32 $0x8F2B, s0  }
0xbe: {  	[sflag:s0] =	ssyncadd.remote.s32 $0x1  }
0xbf: {  	_ =	sfence.sel $0xFFFF  }
0xc0: {  	[dreg:$0x0] =	wrdreg $0xFFFFFFFF;
	(pc) =	sbr.abs _section_cstart, $3  }
0xc1: {  	[dreg:$0x1] =	wrdreg $0xFFFFFFFF  }
0xc2: {  	_ =	task.clear_ibuf [dreg:s7], $0x2FFFF;
	_ =	strace $0x9FFFFFFF  }
0xc3: {  	(tm) =	ssettm $0x7FFFFFFF  }
tec
execute0_lowered:
.L_overlay_start_1:
0x0: {  	(tag) =	ssettag $0x1  }
0x1: {  	s3 =	rddreg [dreg:$0x0]  }
0x2: {  	s4 =	rddreg [dreg:$0x1]  }
0x3: {  	s0 =	srdreg.scid;
	s7 =	stileid.u32  }
0x4: {  	s1 =	rddreg [dreg:$0x2];
	s2 =	simm.s32 $0x0;
	s10 =	simm.s32 $0x2  }
0x5: {  	s12 =	simm.s32 $0x0;
	s5 =	sand.u32 $0x1, s0;
	s0 =	rddreg [dreg:$0x3]  }
0x6: {  	s6 =	sshll.u32 s7, $0x1;
	[smem:$0x7FF] =	sst s2;
	p0 =	sne.s32 s7, $0x0  }
0x7: {  	s7 =	simm.s32 $0x1;
	s8 =	sor.u32 s5, s6;
	_ =	strace $0x80000047  }
0x8: {  	s9 =	sshll.u32 s5, $0x4;
	s5 =	ssub.s32 $0x2, s5;
	s6 =	smul.u32 $0xC80, s8  }
0x9: {  	s11 =	sshrl.u32 @!p0 s1, $0x3;
	s9 =	sadd.s32 s9, s4;
	s30 =	sshrl.u32 s5, $0x1  }
0xa: {  	p1 =	seq.s32 s8, $0x1F;
	s8 =	simm.s32 $0x320;
	s6 =	sshrl.u32 s6, $0x3  }
0xb: {  	s31 =	ssub.s32 s5, s30;
	s5 =	sadd.s32 $0x400, s9;
	s3 =	sadd.s32 s3, s6  }
0xc: {  	v0 =	vimm.f32 $1.000000000e+00;
	v1 =	vimm.f32 $0.0e+00;
	s9 =	simm.s32 $0xD00;
	s6 =	smax.u32 s31, $0x1;
	s4 =	sadd.s32 $0x64, s3  }
.LBB2_1:
0xd: {  	[tilespmem:s2], [sflag:$0x1] =	stream.linear.gather [hbm4b:s3+s2], $0x320, $0x38;
	[tilespmem:$0x1A08] =	vst v63  }
0xe: {  	s13 =	simm.s32 @!p1 $0x0;
	s14 =	simm.s32 @!p1 $0x380  }
0xf: {  	[tilespmem:s14], [sflag:$0x1] =	stream.linear.gather @!p1 [hbm4b:s4+s13], $0x960, $0x38;
	[tilespmem:$0x1A08] =	vst v63  }
0x10: {  	s13 =	simm.s32 $0x40;
	s14 =	simm.s32 $0x0  }
.LBB2_2:
0x11: {  	p2 =	sne.s32 s13, $0x31C0;
	[tilespmem:s14+$0xD00] =	vst v0;
	s14 =	smov.u32 s13;
	s13 =	sadd.s32 $0x40, s13  }
.Ltmp0:
0x12: {  	(pc) =	sbr.rel @p2 .LBB2_2-.Ltmp0, $2  }
0x13: {  	_ =	sdelay $0x2  }
0x14: {  	s14 =	sshra.s32 s14, $0x2  }
0x15: {  	[tilespmem:s14+$0xD00] =	vst v0  }
0x16: {  	[tilespmem:$0x1980] =	vst v1  }
0x17: {  	[tilespmem:$0x1990] =	vst v1  }
0x18: {  	[tilespmem:$0x19A0] =	vst v1  }
0x19: {  	[tilespmem:$0x19B0] =	vst v1  }
0x1a: {  	[tilespmem:$0x19C0] =	vst v1  }
0x1b: {  	[tilespmem:$0x19D0] =	vst v1  }
0x1c: {  	[tilespmem:$0x19E0] =	vst v1  }
0x1d: {  	s13 =	simm.s32 @!p0 $0x1980;
	[tilespmem:$0x19F0] =	vst v1  }
0x1e: {  	[spmem:s1] =	stream.linear.scatter @!p0 [tilespmem:s13], [sflag:$0x2], $0x80, $0x38;
	[tilespmem:$0x1A08] =	vst v63  }
0x1f: {  	s13 =	simm.s32 @!p0 $0x2  }
0x20: {  	_ =	swait.ge @!p0 [sflag:s13], $0x80  }
0x21: {  	[sflag:s13] =	ssyncset.done @!p0 $0x0  }
0x22: {  	[sflag:s13] =	ssyncadd.s32 @!p0 $0xFFFFFF80  }
0x23: {  	_ =	swait.ge [sflag:s7], $0x320  }
0x24: {  	[sflag:s7] =	ssyncset.done $0x0  }
0x25: {  	s14 =	simm.s32 @!p1 $0x1;
	[sflag:s7] =	ssyncadd.s32 $0xFFFFFCE0  }
0x26: {  	_ =	swait.ge @!p1 [sflag:s14], $0x960  }
0x27: {  	[sflag:s14] =	ssyncset.done @!p1 $0x0  }
0x28: {  	[sflag:s14] =	ssyncadd.s32 @!p1 $0xFFFFF6A0  }
0x29: {  	[bflag:$0x0] =	sbarrier.arrive $0xFFFF  }
0x2a: {  	[spmem:s1] =	stream.indirect.scatter.add.f32 [tilespmem:s9], [sflag:$0x2], $0x1, s2, s8, $0xb8;
	[tilespmem:$0x1A08] =	vst v63  }
0x2b: {  	_ =	swait.ge [sflag:s10], $0x320  }
0x2c: {  	s15 =	simm.s32 @!p1 $0x380;
	[sflag:s10] =	ssyncset.done $0x0  }
0x2d: {  	s16 =	simm.s32 @!p1 $0xD00;
	s14 =	simm.s32 @!p1 $0x960;
	[sflag:s10] =	ssyncadd.s32 $0xFFFFFCE0  }
0x2e: {  	[spmem:s1] =	stream.indirect.scatter.add.f32 @!p1 [tilespmem:s16], [sflag:$0x2], $0x1, s15, s14, $0xb8;
	[tilespmem:$0x1A08] =	vst v63  }
0x2f: {  	s14 =	simm.s32 @!p1 $0x2  }
0x30: {  	_ =	swait.ge @!p1 [sflag:s14], $0x960  }
0x31: {  	s12 =	sadd.s32 $0x1, s12;
	[sflag:s14] =	ssyncset.done @!p1 $0x0  }
0x32: {  	p2 =	sne.s32 s12, s6;
	[sflag:s14] =	ssyncadd.s32 @!p1 $0xFFFFF6A0  }
.Ltmp1:
0x33: {  	s14 =	simm.s32 @!p0 $0x1C02;
	[bflag:$0x0] =	sbarrier.arrive $0xFFFF;
	(pc) =	sbr.rel @p2 .LBB2_1-.Ltmp1, $4  }
0x34: {  	[hbm:s5], [sflag:s14] =	dma.local @!p0 [spmem:s11], $0x10  }
0x35: {  	_ =	swait.ge @!p0 [sflag:s13], $0x10  }
0x36: {  	[sflag:s13] =	ssyncset.done @!p0 $0x0  }
0x37: {  	[sflag:s13] =	ssyncadd.s32 @!p0 $0xFFFFFFF0  }
0x38: {  	_ =	sfence.sel $0x180000  }
0x39: {  	[bflag:$0x0] =	sbarrier.arrive $0xFFFF  }
0x3a: {  	_ =	strace $0x90000047  }
0x3b: {  	s0 =	sadd.s32 @!p0 $0x100000, s0;
	[bflag:$0x2] =	sbarrier.arrive $0xFFFF  }
0x3c: {  	[sflag:s0] =	ssyncadd.tile.s32 @!p0 $0x1;
	_ =	shalt  }
.Lfunc_end2:
_tile_overlayer_lowered:
.L_overlay_start_2:
0x3d: {  	(tag) =	ssettag $0x2  }
0x3e: {  	s0 =	rddreg [dreg:$0x0];
	s2 =	stileid.u32  }
0x3f: {  	s1 =	rddreg [dreg:$0x1];
	p0 =	sne.s32 s2, $0x0  }
0x40: {  	s3 =	rddreg [dreg:$0x2];
	[bflag:$0x3] =	sbarrier.arrive $0xFFFF;
	s2 =	simm.s32 @!p0 $0x1C02  }
0x41: {  	[timem:s3], [sflag:s2] =	dma.local @!p0 [hbm:s0], s1  }
0x42: {  	s0 =	simm.s32 @!p0 $0x2  }
0x43: {  	_ =	swait.ge @!p0 [sflag:s0], s1  }
0x44: {  	s1 =	ssub.s32 @!p0 $0x0, s1;
	[sflag:s0] =	ssyncset.done @!p0 $0x0  }
0x45: {  	[sflag:s0] =	ssyncadd.s32 @!p0 s1  }
0x46: {  	[bflag:$0x3] =	sbarrier.arrive $0xFFFF  }
0x47: {  	_ =	shalt  }

</sc_bundles>
